<compile_context>
chip_gen: v7x
topology: tpu7x:2x2x1
jax: 0.10.2.dev20260603
libtpu: 0.0.44.dev20260713+nightly
codegen_flags: <defaults>
</compile_context>

<pallas_src>
import functools

import jax
import jax.numpy as jnp
from jax import lax
from jax.experimental import pallas as pl
from jax.experimental.pallas import tpu as pltpu
from jax.experimental.pallas import tpu_sc as plsc

NUM_EMBEDDINGS = 1024
EMBEDDING_DIM = 64
COMMITMENT_COST = 0.25
BM = 4096

_NC, _NS = 2, 16
_NW = _NC * _NS


def _vq_body(z_ref, zn_ref, en_ref, e_ref, idx_ref, loss_ref):
    i = pl.program_id(0)
    z = z_ref[0]
    e = e_ref[...]
    mm2 = lax.dot_general(-2.0 * z, e, (((1,), (1,)), ((), ())),
                          preferred_element_type=jnp.float32)
    zn = zn_ref[0].reshape(BM, 1)
    t = zn + en_ref[...]
    d = t + mm2
    minv = jnp.min(d, axis=1, keepdims=True)
    iota_f = lax.broadcasted_iota(jnp.int32, d.shape, 1).astype(jnp.float32)
    big = jnp.float32(NUM_EMBEDDINGS)
    idxf = jnp.min(jnp.where(d == minv, iota_f, big), axis=1, keepdims=True)
    idx_ref[...] = jnp.transpose(idxf, (1, 0)).astype(jnp.int32)[None]
    bs = jnp.sum(minv)[None, None]

    @pl.when(i == 0)
    def _init():
        loss_ref[...] = jnp.zeros_like(loss_ref)

    loss_ref[...] += bs


def _make_sc_gather(V, D, B):
    b_per_w = B // _NW
    mesh = plsc.VectorSubcoreMesh(core_axis_name="c", subcore_axis_name="s")

    nch = 4
    ch = b_per_w // nch

    @functools.partial(
        pl.kernel, mesh=mesh,
        out_type=jax.ShapeDtypeStruct((B, 128), jnp.float32),
        scratch_types=(
            [pltpu.VMEM((b_per_w,), jnp.int32)]
            + [pltpu.VMEM((ch, 128), jnp.float32)] * nch
            + [pltpu.SemaphoreType.DMA] * (2 * nch)
        ),
    )
    def gather_k(table_hbm, idx_hbm, out_hbm, idx_v, *bufs_sems):
        bufs = bufs_sems[:nch]
        gsems = bufs_sems[nch:2 * nch]
        wsems = bufs_sems[2 * nch:]
        wid = lax.axis_index("s") * _NC + lax.axis_index("c")
        base = wid * b_per_w
        pltpu.sync_copy(idx_hbm.at[base // BM, 0, pl.ds(base % BM, b_per_w)],
                        idx_v)
        gh = [pltpu.async_copy(table_hbm.at[idx_v.at[pl.ds(c * ch, ch)]],
                               bufs[c], gsems[c])
              for c in range(nch)]
        wh = []
        for c in range(nch):
            gh[c].wait()
            wh.append(pltpu.async_copy(
                bufs[c], out_hbm.at[pl.ds(base + c * ch, ch)], wsems[c]))
        for h in wh:
            h.wait()

    return gather_k


def kernel(z_e, embedding):
    B, T, C = z_e.shape
    M = B * T
    G = M // BM
    zn = jnp.sum(z_e.reshape(M, C) ** 2, axis=1).reshape(G, 1, BM)
    en = jnp.sum(embedding ** 2, axis=1, keepdims=True).T
    idx_out, loss_out = pl.pallas_call(
        _vq_body,
        grid=(G,),
        in_specs=[
            pl.BlockSpec((1, BM, C), lambda i: (i, 0, 0)),
            pl.BlockSpec((1, 1, BM), lambda i: (i, 0, 0)),
            pl.BlockSpec((1, NUM_EMBEDDINGS), lambda i: (0, 0)),
            pl.BlockSpec((NUM_EMBEDDINGS, C), lambda i: (0, 0)),
        ],
        out_specs=[
            pl.BlockSpec((1, 1, BM), lambda i: (i, 0, 0)),
            pl.BlockSpec((1, 1), lambda i: (0, 0)),
        ],
        out_shape=[
            jax.ShapeDtypeStruct((M // BM, 1, BM), jnp.int32),
            jax.ShapeDtypeStruct((1, 1), jnp.float32),
        ],
    )(z_e.reshape(G, BM, C), zn, en, embedding)
    emb_pad = jnp.pad(embedding, ((0, 0), (0, 128 - C)))
    zq128 = _make_sc_gather(NUM_EMBEDDINGS, C, M)(emb_pad, idx_out)
    zq = zq128[:, :C]
    commitment_loss = (COMMITMENT_COST / (M * C)) * loss_out[0, 0]
    return (zq.reshape(B, T, C), commitment_loss, idx_out.reshape(B, T))

# --- scband reference (transcript-rebuilt; emitter-appended) ---
"""Pipeline reference for scband-vector-quantizer-34239479284071 (READ-ONLY COPY).

The authoritative reference and input builder live on the scoring server;
editing this copy changes nothing except your own understanding.
"""

import jax, jax.numpy as jnp
import numpy as np

NUM_EMBEDDINGS = 1024
EMBEDDING_DIM = 64
COMMITMENT_COST = 0.25


def setup_inputs(seed: int = 0) -> dict:
    key = jax.random.key(seed)
    k1, k2 = jax.random.split(key)
    z_e = jax.random.normal(k1, (16, 1024, EMBEDDING_DIM), dtype=jnp.float32)
    embedding = jax.random.normal(k2, (NUM_EMBEDDINGS, EMBEDDING_DIM), dtype=jnp.float32)
    return {"z_e": z_e, "embedding": embedding}


def reference(z_e, embedding):
    B, T, C = z_e.shape
    z_e_flat = z_e.reshape(-1, C)
    # distances = ||z||^2 + ||e||^2 - 2 z e^T  (matches torch.addmm with beta=1, alpha=-2)
    z_norm_sq = jnp.sum(z_e_flat ** 2, axis=1, keepdims=True)
    emb_norm_sq = jnp.sum(embedding ** 2, axis=1, keepdims=True).T
    distances = z_norm_sq + emb_norm_sq - 2.0 * (z_e_flat @ embedding.T)
    indices = jnp.argmin(distances, axis=1)
    z_q_flat = jnp.take(embedding, indices, axis=0)
    z_q = z_q_flat.reshape(B, T, C)
    # eval mode: no EMA buffer updates
    commitment_loss = COMMITMENT_COST * jnp.mean((z_e - jax.lax.stop_gradient(z_q)) ** 2)
    z_q_st = z_e + jax.lax.stop_gradient(z_q - z_e)
    return (z_q_st, commitment_loss, indices.reshape(B, T))

if __name__ == "__main__":
    import jax
    _d = setup_inputs()
    print(jax.jit(kernel)(*tuple(_d.values())))

</pallas_src>

<mosaic_0001>
#map = affine_map<(d0, d1) -> (0, 0)>
#map1 = affine_map<(d0, d1) -> (0, 0, 0)>
module attributes {stable_mosaic.version = 14 : i64} {
  func.func @gather_k(%arg0: i32, %arg1: i32, %arg2: memref<1024x128xf32, #tpu.memory_space<hbm>>, %arg3: memref<4x1x4096xi32, #tpu.memory_space<hbm>>, %arg4: memref<16384x128xf32, #tpu.memory_space<hbm>>, %arg5: memref<512xi32, #tpu.memory_space<vmem>>, %arg6: memref<128x128xf32, #tpu.memory_space<vmem>>, %arg7: memref<128x128xf32, #tpu.memory_space<vmem>>, %arg8: memref<128x128xf32, #tpu.memory_space<vmem>>, %arg9: memref<128x128xf32, #tpu.memory_space<vmem>>, %arg10: memref<!tpu.dma_semaphore, #tpu.memory_space<semaphore_mem>>, %arg11: memref<!tpu.dma_semaphore, #tpu.memory_space<semaphore_mem>>, %arg12: memref<!tpu.dma_semaphore, #tpu.memory_space<semaphore_mem>>, %arg13: memref<!tpu.dma_semaphore, #tpu.memory_space<semaphore_mem>>, %arg14: memref<!tpu.dma_semaphore, #tpu.memory_space<semaphore_mem>>, %arg15: memref<!tpu.dma_semaphore, #tpu.memory_space<semaphore_mem>>, %arg16: memref<!tpu.dma_semaphore, #tpu.memory_space<semaphore_mem>>, %arg17: memref<!tpu.dma_semaphore, #tpu.memory_space<semaphore_mem>>) attributes {dimension_semantics = [#tpu.dimension_semantics<core_parallel>, #tpu.dimension_semantics<subcore_parallel>], iteration_bounds = array<i64: 2, 16>, scalar_prefetch = 0 : i64, scratch_operands = 13 : i64, tpu.core_type = #tpu.core_type<sc_vector_subcore>, window_params = [{transform_indices = #map}, {transform_indices = #map1}, {transform_indices = #map}]} {
    %mul3A = arith.constant 2 : i32
    %mul3A_0 = arith.muli %arg1, %mul3A : i32
    %add3A = arith.addi %mul3A_0, %arg0 : i32
    %mul3A_1 = arith.constant 512 : i32
    %mul3A_2 = arith.muli %add3A, %mul3A_1 : i32
    %jit3A = arith.constant 4096 : i32
    %div3A = arith.divsi %mul3A_2, %jit3A : i32
    %sign3A = arith.constant 0 : i32
    %sign3A_3 = arith.cmpi sgt, %mul3A_2, %sign3A : i32
    %sign3A_4 = arith.extui %sign3A_3 : i1 to i32
    %sign3A_5 = arith.constant 0 : i32
    %sign3A_6 = arith.cmpi slt, %mul3A_2, %sign3A_5 : i32
    %sign3A_7 = arith.extui %sign3A_6 : i1 to i32
    %sign3A_8 = arith.subi %sign3A_4, %sign3A_7 : i32
    %sign3A_9 = arith.constant 0 : i32
    %sign3A_10 = arith.cmpi sgt, %jit3A, %sign3A_9 : i32
    %sign3A_11 = arith.extui %sign3A_10 : i1 to i32
    %sign3A_12 = arith.constant 0 : i32
    %sign3A_13 = arith.cmpi slt, %jit3A, %sign3A_12 : i32
    %sign3A_14 = arith.extui %sign3A_13 : i1 to i32
    %sign3A_15 = arith.subi %sign3A_11, %sign3A_14 : i32
    %ne3A = arith.cmpi ne, %sign3A_8, %sign3A_15 : i32
    %rem3A = arith.remsi %mul3A_2, %jit3A : i32
    %ne3A_16 = arith.constant 0 : i32
    %ne3A_17 = arith.cmpi ne, %rem3A, %ne3A_16 : i32
    %and3A = arith.andi %ne3A, %ne3A_17 : i1
    %sub3A = arith.constant 1 : i32
    %sub3A_18 = arith.subi %div3A, %sub3A : i32
    %select_n3A = arith.select %and3A, %sub3A_18, %div3A : i32
    %jit3A_19 = arith.constant 4096 : i32
    %eq3A = arith.constant 0 : i32
    %eq3A_20 = arith.cmpi eq, %jit3A_19, %eq3A : i32
    %jit3A_21 = arith.constant 1 : i32
    %select_n3A_22 = arith.select %eq3A_20, %jit3A_21, %jit3A_19 : i32
    %rem3A_23 = arith.remsi %mul3A_2, %select_n3A_22 : i32
    %ne3A_24 = arith.constant 0 : i32
    %ne3A_25 = arith.cmpi ne, %rem3A_23, %ne3A_24 : i32
    %lt3A = arith.constant 0 : i32
    %lt3A_26 = arith.cmpi slt, %rem3A_23, %lt3A : i32
    %lt3A_27 = arith.constant 0 : i32
    %lt3A_28 = arith.cmpi slt, %select_n3A_22, %lt3A_27 : i32
    %ne3A_29 = arith.xori %lt3A_26, %lt3A_28 : i1
    %and3A_30 = arith.andi %ne3A_29, %ne3A_25 : i1
    %add3A_31 = arith.addi %rem3A_23, %select_n3A_22 : i32
    %select_n3A_32 = arith.select %and3A_30, %add3A_31, %rem3A_23 : i32
    %run_scoped3A = arith.constant 0 : i32
    "tpu.region"() ({
      %run_scoped3A_111 = tpu.sem_alloc : memref<!tpu.dma_semaphore, #tpu.memory_space<semaphore_mem>>
      %dma_start3A_112 = tpu.memref_slice %arg3[%select_n3A, %run_scoped3A, %select_n3A_32] : memref<4x1x4096xi32, #tpu.memory_space<hbm>> -> memref<1x1x512xi32, #tpu.memory_space<hbm>>
      %dma_start3A_113 = tpu.memref_squeeze %dma_start3A_112 : memref<1x1x512xi32, #tpu.memory_space<hbm>> -> memref<512xi32, #tpu.memory_space<hbm>>
      %dma_start3A_114 = tpu.memref_slice %arg3[%select_n3A, %run_scoped3A, %select_n3A_32] : memref<4x1x4096xi32, #tpu.memory_space<hbm>> -> memref<1x1x512xi32, #tpu.memory_space<hbm>>
      %dma_start3A_115 = tpu.memref_squeeze %dma_start3A_114 : memref<1x1x512xi32, #tpu.memory_space<hbm>> -> memref<512xi32, #tpu.memory_space<hbm>>
      tpu.enqueue_dma source(%dma_start3A_115 : memref<512xi32, #tpu.memory_space<hbm>>) target(%arg5 : memref<512xi32, #tpu.memory_space<vmem>>) target_semaphore(%run_scoped3A_111 : memref<!tpu.dma_semaphore, #tpu.memory_space<semaphore_mem>>)
      %dma_wait3A_116 = tpu.memref_slice %arg3[%select_n3A, %run_scoped3A, %select_n3A_32] : memref<4x1x4096xi32, #tpu.memory_space<hbm>> -> memref<1x1x512xi32, #tpu.memory_space<hbm>>
      %dma_wait3A_117 = tpu.memref_squeeze %dma_wait3A_116 : memref<1x1x512xi32, #tpu.memory_space<hbm>> -> memref<512xi32, #tpu.memory_space<hbm>>
      %dma_wait3A_118 = tpu.memref_slice %arg3[%select_n3A, %run_scoped3A, %select_n3A_32] : memref<4x1x4096xi32, #tpu.memory_space<hbm>> -> memref<1x1x512xi32, #tpu.memory_space<hbm>>
      %dma_wait3A_119 = tpu.memref_squeeze %dma_wait3A_118 : memref<1x1x512xi32, #tpu.memory_space<hbm>> -> memref<512xi32, #tpu.memory_space<hbm>>
      tpu.wait_dma2 semaphore(%run_scoped3A_111 : memref<!tpu.dma_semaphore, #tpu.memory_space<semaphore_mem>>) src(%dma_wait3A_119 : memref<512xi32, #tpu.memory_space<hbm>>) dst(%arg5 : memref<512xi32, #tpu.memory_space<vmem>>)
      tpu.yield
    }) : () -> ()
    %dma_start3A = arith.constant 0 : i32
    %dma_start3A_33 = tpu.memref_slice %arg5[%dma_start3A] : memref<512xi32, #tpu.memory_space<vmem>> -> memref<128xi32, #tpu.memory_space<vmem>>
    %dma_start3A_34 = arith.constant 0 : i32
    %dma_start3A_35 = arith.constant 0 : i32
    %dma_start3A_36 = tpu.memref_slice %arg2[%dma_start3A_34, %dma_start3A_35] : memref<1024x128xf32, #tpu.memory_space<hbm>> -> memref<1024x128xf32, #tpu.memory_space<hbm>>
    tpu.enqueue_indirect_dma source(%dma_start3A_36 : memref<1024x128xf32, #tpu.memory_space<hbm>>) target(%arg6 : memref<128x128xf32, #tpu.memory_space<vmem>>) offsets(%dma_start3A_33 : memref<128xi32, #tpu.memory_space<vmem>>) semaphore(%arg10 : memref<!tpu.dma_semaphore, #tpu.memory_space<semaphore_mem>>)
    %dma_start3A_37 = arith.constant 128 : i32
    %dma_start3A_38 = tpu.memref_slice %arg5[%dma_start3A_37] : memref<512xi32, #tpu.memory_space<vmem>> -> memref<128xi32, #tpu.memory_space<vmem>>
    %dma_start3A_39 = arith.constant 0 : i32
    %dma_start3A_40 = arith.constant 0 : i32
    %dma_start3A_41 = tpu.memref_slice %arg2[%dma_start3A_39, %dma_start3A_40] : memref<1024x128xf32, #tpu.memory_space<hbm>> -> memref<1024x128xf32, #tpu.memory_space<hbm>>
    tpu.enqueue_indirect_dma source(%dma_start3A_41 : memref<1024x128xf32, #tpu.memory_space<hbm>>) target(%arg7 : memref<128x128xf32, #tpu.memory_space<vmem>>) offsets(%dma_start3A_38 : memref<128xi32, #tpu.memory_space<vmem>>) semaphore(%arg11 : memref<!tpu.dma_semaphore, #tpu.memory_space<semaphore_mem>>)
    %dma_start3A_42 = arith.constant 256 : i32
    %dma_start3A_43 = tpu.memref_slice %arg5[%dma_start3A_42] : memref<512xi32, #tpu.memory_space<vmem>> -> memref<128xi32, #tpu.memory_space<vmem>>
    %dma_start3A_44 = arith.constant 0 : i32
    %dma_start3A_45 = arith.constant 0 : i32
    %dma_start3A_46 = tpu.memref_slice %arg2[%dma_start3A_44, %dma_start3A_45] : memref<1024x128xf32, #tpu.memory_space<hbm>> -> memref<1024x128xf32, #tpu.memory_space<hbm>>
    tpu.enqueue_indirect_dma source(%dma_start3A_46 : memref<1024x128xf32, #tpu.memory_space<hbm>>) target(%arg8 : memref<128x128xf32, #tpu.memory_space<vmem>>) offsets(%dma_start3A_43 : memref<128xi32, #tpu.memory_space<vmem>>) semaphore(%arg12 : memref<!tpu.dma_semaphore, #tpu.memory_space<semaphore_mem>>)
    %dma_start3A_47 = arith.constant 384 : i32
    %dma_start3A_48 = tpu.memref_slice %arg5[%dma_start3A_47] : memref<512xi32, #tpu.memory_space<vmem>> -> memref<128xi32, #tpu.memory_space<vmem>>
    %dma_start3A_49 = arith.constant 0 : i32
    %dma_start3A_50 = arith.constant 0 : i32
    %dma_start3A_51 = tpu.memref_slice %arg2[%dma_start3A_49, %dma_start3A_50] : memref<1024x128xf32, #tpu.memory_space<hbm>> -> memref<1024x128xf32, #tpu.memory_space<hbm>>
    tpu.enqueue_indirect_dma source(%dma_start3A_51 : memref<1024x128xf32, #tpu.memory_space<hbm>>) target(%arg9 : memref<128x128xf32, #tpu.memory_space<vmem>>) offsets(%dma_start3A_48 : memref<128xi32, #tpu.memory_space<vmem>>) semaphore(%arg13 : memref<!tpu.dma_semaphore, #tpu.memory_space<semaphore_mem>>)
    %dma_wait3A = arith.constant 0 : i32
    %dma_wait3A_52 = tpu.memref_slice %arg5[%dma_wait3A] : memref<512xi32, #tpu.memory_space<vmem>> -> memref<128xi32, #tpu.memory_space<vmem>>
    %dma_wait3A_53 = arith.constant 0 : i32
    %dma_wait3A_54 = arith.constant 0 : i32
    %dma_wait3A_55 = tpu.memref_slice %arg2[%dma_wait3A_53, %dma_wait3A_54] : memref<1024x128xf32, #tpu.memory_space<hbm>> -> memref<1024x128xf32, #tpu.memory_space<hbm>>
    tpu.wait_indirect_dma semaphore(%arg10 : memref<!tpu.dma_semaphore, #tpu.memory_space<semaphore_mem>>) src(%dma_wait3A_55 : memref<1024x128xf32, #tpu.memory_space<hbm>>) dst(%arg6 : memref<128x128xf32, #tpu.memory_space<vmem>>)
    %add3A_56 = arith.constant 0 : i32
    %add3A_57 = arith.addi %mul3A_2, %add3A_56 : i32
    %dma_start3A_58 = arith.constant 0 : i32
    %dma_start3A_59 = tpu.memref_slice %arg4[%add3A_57, %dma_start3A_58] : memref<16384x128xf32, #tpu.memory_space<hbm>> -> memref<128x128xf32, #tpu.memory_space<hbm>>
    %dma_start3A_60 = arith.constant 0 : i32
    %dma_start3A_61 = tpu.memref_slice %arg4[%add3A_57, %dma_start3A_60] : memref<16384x128xf32, #tpu.memory_space<hbm>> -> memref<128x128xf32, #tpu.memory_space<hbm>>
    tpu.enqueue_dma source(%arg6 : memref<128x128xf32, #tpu.memory_space<vmem>>) target(%dma_start3A_61 : memref<128x128xf32, #tpu.memory_space<hbm>>) target_semaphore(%arg14 : memref<!tpu.dma_semaphore, #tpu.memory_space<semaphore_mem>>)
    %dma_wait3A_62 = arith.constant 128 : i32
    %dma_wait3A_63 = tpu.memref_slice %arg5[%dma_wait3A_62] : memref<512xi32, #tpu.memory_space<vmem>> -> memref<128xi32, #tpu.memory_space<vmem>>
    %dma_wait3A_64 = arith.constant 0 : i32
    %dma_wait3A_65 = arith.constant 0 : i32
    %dma_wait3A_66 = tpu.memref_slice %arg2[%dma_wait3A_64, %dma_wait3A_65] : memref<1024x128xf32, #tpu.memory_space<hbm>> -> memref<1024x128xf32, #tpu.memory_space<hbm>>
    tpu.wait_indirect_dma semaphore(%arg11 : memref<!tpu.dma_semaphore, #tpu.memory_space<semaphore_mem>>) src(%dma_wait3A_66 : memref<1024x128xf32, #tpu.memory_space<hbm>>) dst(%arg7 : memref<128x128xf32, #tpu.memory_space<vmem>>)
    %add3A_67 = arith.constant 128 : i32
    %add3A_68 = arith.addi %mul3A_2, %add3A_67 : i32
    %dma_start3A_69 = arith.constant 0 : i32
    %dma_start3A_70 = tpu.memref_slice %arg4[%add3A_68, %dma_start3A_69] : memref<16384x128xf32, #tpu.memory_space<hbm>> -> memref<128x128xf32, #tpu.memory_space<hbm>>
    %dma_start3A_71 = arith.constant 0 : i32
    %dma_start3A_72 = tpu.memref_slice %arg4[%add3A_68, %dma_start3A_71] : memref<16384x128xf32, #tpu.memory_space<hbm>> -> memref<128x128xf32, #tpu.memory_space<hbm>>
    tpu.enqueue_dma source(%arg7 : memref<128x128xf32, #tpu.memory_space<vmem>>) target(%dma_start3A_72 : memref<128x128xf32, #tpu.memory_space<hbm>>) target_semaphore(%arg15 : memref<!tpu.dma_semaphore, #tpu.memory_space<semaphore_mem>>)
    %dma_wait3A_73 = arith.constant 256 : i32
    %dma_wait3A_74 = tpu.memref_slice %arg5[%dma_wait3A_73] : memref<512xi32, #tpu.memory_space<vmem>> -> memref<128xi32, #tpu.memory_space<vmem>>
    %dma_wait3A_75 = arith.constant 0 : i32
    %dma_wait3A_76 = arith.constant 0 : i32
    %dma_wait3A_77 = tpu.memref_slice %arg2[%dma_wait3A_75, %dma_wait3A_76] : memref<1024x128xf32, #tpu.memory_space<hbm>> -> memref<1024x128xf32, #tpu.memory_space<hbm>>
    tpu.wait_indirect_dma semaphore(%arg12 : memref<!tpu.dma_semaphore, #tpu.memory_space<semaphore_mem>>) src(%dma_wait3A_77 : memref<1024x128xf32, #tpu.memory_space<hbm>>) dst(%arg8 : memref<128x128xf32, #tpu.memory_space<vmem>>)
    %add3A_78 = arith.constant 256 : i32
    %add3A_79 = arith.addi %mul3A_2, %add3A_78 : i32
    %dma_start3A_80 = arith.constant 0 : i32
    %dma_start3A_81 = tpu.memref_slice %arg4[%add3A_79, %dma_start3A_80] : memref<16384x128xf32, #tpu.memory_space<hbm>> -> memref<128x128xf32, #tpu.memory_space<hbm>>
    %dma_start3A_82 = arith.constant 0 : i32
    %dma_start3A_83 = tpu.memref_slice %arg4[%add3A_79, %dma_start3A_82] : memref<16384x128xf32, #tpu.memory_space<hbm>> -> memref<128x128xf32, #tpu.memory_space<hbm>>
    tpu.enqueue_dma source(%arg8 : memref<128x128xf32, #tpu.memory_space<vmem>>) target(%dma_start3A_83 : memref<128x128xf32, #tpu.memory_space<hbm>>) target_semaphore(%arg16 : memref<!tpu.dma_semaphore, #tpu.memory_space<semaphore_mem>>)
    %dma_wait3A_84 = arith.constant 384 : i32
    %dma_wait3A_85 = tpu.memref_slice %arg5[%dma_wait3A_84] : memref<512xi32, #tpu.memory_space<vmem>> -> memref<128xi32, #tpu.memory_space<vmem>>
    %dma_wait3A_86 = arith.constant 0 : i32
    %dma_wait3A_87 = arith.constant 0 : i32
    %dma_wait3A_88 = tpu.memref_slice %arg2[%dma_wait3A_86, %dma_wait3A_87] : memref<1024x128xf32, #tpu.memory_space<hbm>> -> memref<1024x128xf32, #tpu.memory_space<hbm>>
    tpu.wait_indirect_dma semaphore(%arg13 : memref<!tpu.dma_semaphore, #tpu.memory_space<semaphore_mem>>) src(%dma_wait3A_88 : memref<1024x128xf32, #tpu.memory_space<hbm>>) dst(%arg9 : memref<128x128xf32, #tpu.memory_space<vmem>>)
    %add3A_89 = arith.constant 384 : i32
    %add3A_90 = arith.addi %mul3A_2, %add3A_89 : i32
    %dma_start3A_91 = arith.constant 0 : i32
    %dma_start3A_92 = tpu.memref_slice %arg4[%add3A_90, %dma_start3A_91] : memref<16384x128xf32, #tpu.memory_space<hbm>> -> memref<128x128xf32, #tpu.memory_space<hbm>>
    %dma_start3A_93 = arith.constant 0 : i32
    %dma_start3A_94 = tpu.memref_slice %arg4[%add3A_90, %dma_start3A_93] : memref<16384x128xf32, #tpu.memory_space<hbm>> -> memref<128x128xf32, #tpu.memory_space<hbm>>
    tpu.enqueue_dma source(%arg9 : memref<128x128xf32, #tpu.memory_space<vmem>>) target(%dma_start3A_94 : memref<128x128xf32, #tpu.memory_space<hbm>>) target_semaphore(%arg17 : memref<!tpu.dma_semaphore, #tpu.memory_space<semaphore_mem>>)
    %dma_wait3A_95 = arith.constant 0 : i32
    %dma_wait3A_96 = tpu.memref_slice %arg4[%add3A_57, %dma_wait3A_95] : memref<16384x128xf32, #tpu.memory_space<hbm>> -> memref<128x128xf32, #tpu.memory_space<hbm>>
    %dma_wait3A_97 = arith.constant 0 : i32
    %dma_wait3A_98 = tpu.memref_slice %arg4[%add3A_57, %dma_wait3A_97] : memref<16384x128xf32, #tpu.memory_space<hbm>> -> memref<128x128xf32, #tpu.memory_space<hbm>>
    tpu.wait_dma2 semaphore(%arg14 : memref<!tpu.dma_semaphore, #tpu.memory_space<semaphore_mem>>) src(%arg6 : memref<128x128xf32, #tpu.memory_space<vmem>>) dst(%dma_wait3A_98 : memref<128x128xf32, #tpu.memory_space<hbm>>)
    %dma_wait3A_99 = arith.constant 0 : i32
    %dma_wait3A_100 = tpu.memref_slice %arg4[%add3A_68, %dma_wait3A_99] : memref<16384x128xf32, #tpu.memory_space<hbm>> -> memref<128x128xf32, #tpu.memory_space<hbm>>
    %dma_wait3A_101 = arith.constant 0 : i32
    %dma_wait3A_102 = tpu.memref_slice %arg4[%add3A_68, %dma_wait3A_101] : memref<16384x128xf32, #tpu.memory_space<hbm>> -> memref<128x128xf32, #tpu.memory_space<hbm>>
    tpu.wait_dma2 semaphore(%arg15 : memref<!tpu.dma_semaphore, #tpu.memory_space<semaphore_mem>>) src(%arg7 : memref<128x128xf32, #tpu.memory_space<vmem>>) dst(%dma_wait3A_102 : memref<128x128xf32, #tpu.memory_space<hbm>>)
    %dma_wait3A_103 = arith.constant 0 : i32
    %dma_wait3A_104 = tpu.memref_slice %arg4[%add3A_79, %dma_wait3A_103] : memref<16384x128xf32, #tpu.memory_space<hbm>> -> memref<128x128xf32, #tpu.memory_space<hbm>>
    %dma_wait3A_105 = arith.constant 0 : i32
    %dma_wait3A_106 = tpu.memref_slice %arg4[%add3A_79, %dma_wait3A_105] : memref<16384x128xf32, #tpu.memory_space<hbm>> -> memref<128x128xf32, #tpu.memory_space<hbm>>
    tpu.wait_dma2 semaphore(%arg16 : memref<!tpu.dma_semaphore, #tpu.memory_space<semaphore_mem>>) src(%arg8 : memref<128x128xf32, #tpu.memory_space<vmem>>) dst(%dma_wait3A_106 : memref<128x128xf32, #tpu.memory_space<hbm>>)
    %dma_wait3A_107 = arith.constant 0 : i32
    %dma_wait3A_108 = tpu.memref_slice %arg4[%add3A_90, %dma_wait3A_107] : memref<16384x128xf32, #tpu.memory_space<hbm>> -> memref<128x128xf32, #tpu.memory_space<hbm>>
    %dma_wait3A_109 = arith.constant 0 : i32
    %dma_wait3A_110 = tpu.memref_slice %arg4[%add3A_90, %dma_wait3A_109] : memref<16384x128xf32, #tpu.memory_space<hbm>> -> memref<128x128xf32, #tpu.memory_space<hbm>>
    tpu.wait_dma2 semaphore(%arg17 : memref<!tpu.dma_semaphore, #tpu.memory_space<semaphore_mem>>) src(%arg9 : memref<128x128xf32, #tpu.memory_space<vmem>>) dst(%dma_wait3A_110 : memref<128x128xf32, #tpu.memory_space<hbm>>)
    return
  }
}

module attributes {stable_mosaic.version = 14 : i64} {
  func.func @_vq_body(%arg0: i32, %arg1: memref<1x4096x64xf32, #tpu.memory_space<vmem>>, %arg2: memref<1x1x4096xf32, #tpu.memory_space<vmem>>, %arg3: memref<1x1024xf32, #tpu.memory_space<vmem>>, %arg4: memref<1024x64xf32, #tpu.memory_space<vmem>>, %arg5: memref<1x1x4096xi32, #tpu.memory_space<vmem>>, %arg6: memref<1x1xf32, #tpu.memory_space<vmem>>) attributes {dimension_semantics = [#tpu.dimension_semantics<arbitrary>], iteration_bounds = array<i64: 4>, scalar_prefetch = 0 : i64, scratch_operands = 0 : i64, tpu.core_type = #tpu.core_type<tc>, window_params = [{transform_indices = @transform_0, window_bounds = array<i64: 1, 4096, 64>}, {transform_indices = @transform_1, window_bounds = array<i64: 1, 1, 4096>}, {pipeline_mode = #tpu.pipeline_mode<synchronous>, transform_indices = @transform_2, window_bounds = array<i64: 1, 1024>}, {pipeline_mode = #tpu.pipeline_mode<synchronous>, transform_indices = @transform_3, window_bounds = array<i64: 1024, 64>}, {transform_indices = @transform_4, window_bounds = array<i64: 1, 1, 4096>}, {pipeline_mode = #tpu.pipeline_mode<synchronous>, transform_indices = @transform_5, window_bounds = array<i64: 1, 1>}]} {
    %get3A = arith.constant 0 : index
    %get3A_0 = arith.constant 0 : index
    %get3A_1 = arith.constant 0 : index
    %get3A_2 = vector.load %arg1[%get3A, %get3A_0, %get3A_1] : memref<1x4096x64xf32, #tpu.memory_space<vmem>>, vector<1x4096x64xf32>
    %get3A_3 = vector.shape_cast %get3A_2 : vector<1x4096x64xf32> to vector<4096x64xf32>
    %get3A_4 = arith.constant 0 : index
    %get3A_5 = arith.constant 0 : index
    %get3A_6 = vector.load %arg4[%get3A_4, %get3A_5] : memref<1024x64xf32, #tpu.memory_space<vmem>>, vector<1024x64xf32>
    %mul3A = arith.constant -2.000000e+00 : f32
    %mul3A_7 = vector.broadcast %mul3A : f32 to vector<4096x64xf32>
    %mul3A_8 = arith.mulf %mul3A_7, %get3A_3 : vector<4096x64xf32>
    %dot_general3A = arith.constant dense<0.000000e+00> : vector<4096x1024xf32>
    %dot_general3A_9 = tpu.matmul %mul3A_8, %get3A_6, %dot_general3A {dimension_numbers = #tpu.dot_dimension_numbers<[1], [1], [0], [0], [0, 0, 1, 0], [], []>, transpose_lhs_hint = false} : vector<4096x64xf32>, vector<1024x64xf32>, vector<4096x1024xf32> -> vector<4096x1024xf32>
    %get3A_10 = arith.constant 0 : index
    %get3A_11 = arith.constant 0 : index
    %get3A_12 = arith.constant 0 : index
    %get3A_13 = vector.load %arg2[%get3A_10, %get3A_11, %get3A_12] : memref<1x1x4096xf32, #tpu.memory_space<vmem>>, vector<1x1x4096xf32>
    %get3A_14 = vector.shape_cast %get3A_13 : vector<1x1x4096xf32> to vector<1x4096xf32>
    %reshape3A = vector.shape_cast %get3A_14 : vector<1x4096xf32> to vector<4096x1xf32>
    %get3A_15 = arith.constant 0 : index
    %get3A_16 = arith.constant 0 : index
    %get3A_17 = vector.load %arg3[%get3A_15, %get3A_16] : memref<1x1024xf32, #tpu.memory_space<vmem>>, vector<1x1024xf32>
    %add3A = vector.broadcast %reshape3A : vector<4096x1xf32> to vector<4096x1024xf32>
    %add3A_18 = vector.broadcast %get3A_17 : vector<1x1024xf32> to vector<4096x1024xf32>
    %add3A_19 = arith.addf %add3A, %add3A_18 : vector<4096x1024xf32>
    %add3A_20 = arith.addf %add3A_19, %dot_general3A_9 : vector<4096x1024xf32>
    %reduce_min3A = arith.constant dense<0x7F800000> : vector<4096xf32>
    %reduce_min3A_21 = vector.multi_reduction <minimumf>, %add3A_20, %reduce_min3A [1] : vector<4096x1024xf32> to vector<4096xf32>
    %broadcast_in_dim3A = vector.shape_cast %reduce_min3A_21 : vector<4096xf32> to vector<4096x1xf32>
    %iota3A = tpu.iota {dimensions = array<i32: 1>} : vector<4096x1024xi32>
    %convert_element_type3A = arith.sitofp %iota3A : vector<4096x1024xi32> to vector<4096x1024xf32>
    %eq3A = vector.broadcast %broadcast_in_dim3A : vector<4096x1xf32> to vector<4096x1024xf32>
    %eq3A_22 = arith.cmpf oeq, %add3A_20, %eq3A : vector<4096x1024xf32>
    %jit3A = arith.constant 1.024000e+03 : f32
    %broadcast_in_dim3A_23 = vector.broadcast %jit3A : f32 to vector<4096x1024xf32>
    %select_n3A = arith.select %eq3A_22, %convert_element_type3A, %broadcast_in_dim3A_23 : vector<4096x1024xi1>, vector<4096x1024xf32>
    %reduce_min3A_24 = arith.constant dense<0x7F800000> : vector<4096xf32>
    %reduce_min3A_25 = vector.multi_reduction <minimumf>, %select_n3A, %reduce_min3A_24 [1] : vector<4096x1024xf32> to vector<4096xf32>
    %broadcast_in_dim3A_26 = vector.shape_cast %reduce_min3A_25 : vector<4096xf32> to vector<4096x1xf32>
    %transpose3A = tpu.transpose %broadcast_in_dim3A_26, [1, 0] : vector<4096x1xf32> -> vector<1x4096xf32>
    %convert_element_type3A_27 = arith.fptosi %transpose3A : vector<1x4096xf32> to vector<1x4096xi32>
    %broadcast_in_dim3A_28 = vector.shape_cast %convert_element_type3A_27 : vector<1x4096xi32> to vector<1x1x4096xi32>
    %swap3A = arith.constant 0 : index
    %swap3A_29 = arith.constant 0 : index
    %swap3A_30 = arith.constant 0 : index
    %swap3A_31 = vector.load %arg5[%swap3A, %swap3A_29, %swap3A_30] : memref<1x1x4096xi32, #tpu.memory_space<vmem>>, vector<1x1x4096xi32>
    tpu.vector_store %arg5[%swap3A, %swap3A_29, %swap3A_30], %broadcast_in_dim3A_28 {strides = array<i32>} : memref<1x1x4096xi32, #tpu.memory_space<vmem>>, vector<1x1x4096xi32>,
    %reduce_sum3A = vector.shape_cast %broadcast_in_dim3A : vector<4096x1xf32> to vector<1x4096x1xf32>
    %reduce_sum3A_32 = arith.constant dense<0.000000e+00> : vector<1xf32>
    %reduce_sum3A_33 = vector.multi_reduction <add>, %reduce_sum3A, %reduce_sum3A_32 [1, 2] : vector<1x4096x1xf32> to vector<1xf32>
    %reduce_sum3A_34 = vector.shape_cast %reduce_sum3A_33 : vector<1xf32> to vector<1x1x1xf32>
    %reduce_sum3A_35 = vector.extract %reduce_sum3A_34[0, 0, 0] : f32 from vector<1x1x1xf32>
    %broadcast_in_dim3A_36 = vector.broadcast %reduce_sum3A_35 : f32 to vector<1x1xf32>
    %eq3A_37 = arith.constant 0 : i32
    %eq3A_38 = arith.cmpi eq, %arg0, %eq3A_37 : i32
    %convert_element_type3A_39 = arith.extui %eq3A_38 : i1 to i32
    %cond3A = arith.constant 0 : i32
    %cond3A_40 = arith.cmpi ne, %convert_element_type3A_39, %cond3A : i32
    scf.if %cond3A_40 {
      %broadcast_in_dim3A_48 = arith.constant 0.000000e+00 : f32
      %broadcast_in_dim3A_49 = vector.broadcast %broadcast_in_dim3A_48 : f32 to vector<1x1xf32>
      %swap3A_50 = arith.constant 0 : index
      %swap3A_51 = arith.constant 0 : index
      %swap3A_52 = vector.load %arg6[%swap3A_50, %swap3A_51] : memref<1x1xf32, #tpu.memory_space<vmem>>, vector<1x1xf32>
      tpu.vector_store %arg6[%swap3A_50, %swap3A_51], %broadcast_in_dim3A_49 {strides = array<i32>} : memref<1x1xf32, #tpu.memory_space<vmem>>, vector<1x1xf32>,
    } else {
    }
    %get3A_41 = arith.constant 0 : index
    %get3A_42 = arith.constant 0 : index
    %get3A_43 = vector.load %arg6[%get3A_41, %get3A_42] : memref<1x1xf32, #tpu.memory_space<vmem>>, vector<1x1xf32>
    %add3A_44 = arith.addf %get3A_43, %broadcast_in_dim3A_36 : vector<1x1xf32>
    %swap3A_45 = arith.constant 0 : index
    %swap3A_46 = arith.constant 0 : index
    %swap3A_47 = vector.load %arg6[%swap3A_45, %swap3A_46] : memref<1x1xf32, #tpu.memory_space<vmem>>, vector<1x1xf32>
    tpu.vector_store %arg6[%swap3A_45, %swap3A_46], %add3A_44 {strides = array<i32>} : memref<1x1xf32, #tpu.memory_space<vmem>>, vector<1x1xf32>,
    return
  }
  func.func @transform_0(%arg0: i32) -> (i32, i32, i32) {
    %c0_i32 = arith.constant 0 : i32
    %c0_i32_0 = arith.constant 0 : i32
    %c0_i32_1 = arith.constant 0 : i32
    return %arg0, %c0_i32, %c0_i32_0 : i32, i32, i32
  }
  func.func @transform_1(%arg0: i32) -> (i32, i32, i32) {
    %c0_i32 = arith.constant 0 : i32
    %c0_i32_0 = arith.constant 0 : i32
    %c0_i32_1 = arith.constant 0 : i32
    return %arg0, %c0_i32, %c0_i32_0 : i32, i32, i32
  }
  func.func @transform_2(%arg0: i32) -> (i32, i32) {
    %c0_i32 = arith.constant 0 : i32
    %c0_i32_0 = arith.constant 0 : i32
    %c0_i32_1 = arith.constant 0 : i32
    return %c0_i32, %c0_i32_0 : i32, i32
  }
  func.func @transform_3(%arg0: i32) -> (i32, i32) {
    %c0_i32 = arith.constant 0 : i32
    %c0_i32_0 = arith.constant 0 : i32
    %c0_i32_1 = arith.constant 0 : i32
    return %c0_i32, %c0_i32_0 : i32, i32
  }
  func.func @transform_4(%arg0: i32) -> (i32, i32, i32) {
    %c0_i32 = arith.constant 0 : i32
    %c0_i32_0 = arith.constant 0 : i32
    %c0_i32_1 = arith.constant 0 : i32
    return %arg0, %c0_i32, %c0_i32_0 : i32, i32, i32
  }
  func.func @transform_5(%arg0: i32) -> (i32, i32) {
    %c0_i32 = arith.constant 0 : i32
    %c0_i32_0 = arith.constant 0 : i32
    %c0_i32_1 = arith.constant 0 : i32
    return %c0_i32, %c0_i32_0 : i32, i32
  }
}

</mosaic_0001>

<sc_bundles>
// kernel: kernel.4.cloned.1.call-start
scs
__scs_entry_jumppad:
0x0: {  	(pc) =	sbr.rel $0x88, $3  }
0x1: {  	(tag) =	ssettag $0x0;
	lr =	simm.s32 $0x1  }
0x2: {  	[smem:$0x3F9F] =	sst lr;
	_ =	strace $0xD0000000  }
0x3: {  	_ = 	snop  }
0x4: {  	_ = 	snop  }
0x5: {  	_ = 	snop  }
0x6: {  	_ = 	snop  }
0x7: {  	_ = 	snop  }
__scs_overlays_trampoline_lowered:
0x8: {  	[smem:$0x3FAE] =	sst s0  }
0x9: {  	[smem:$0x3FAF] =	sst s1  }
0xa: {  	[smem:$0x3FB0] =	sst s2  }
0xb: {  	[smem:$0x3FB1] =	sst s3  }
0xc: {  	[smem:$0x3FB2] =	sst s4  }
0xd: {  	[smem:$0x3FB3] =	sst s5  }
0xe: {  	[smem:$0x3FB4] =	sst s6  }
0xf: {  	[smem:$0x3FB5] =	sst s7  }
0x10: {  	[smem:$0x3FB6] =	sst s8  }
0x11: {  	[smem:$0x3FB7] =	sst s9;
	s0 =	simm.s32 @!p0 $0x0  }
0x12: {  	s1 =	sld [smem:$0x3F9D];
	s0 =	simm.s32 @p0 $0x1  }
0x13: {  	[smem:$0x3FB8] =	sst s0;
	s0 =	simm.s32 @!p1 $0x0  }
0x14: {  	s2 =	sld [smem:$0x3F9C];
	s0 =	simm.s32 @p1 $0x1  }
0x15: {  	[smem:$0x3FB9] =	sst s0;
	s0 =	simm.s32 @!p2 $0x0  }
0x16: {  	s3 =	sld [smem:$0x3FDB];
	s0 =	simm.s32 @p2 $0x1  }
0x17: {  	s4 =	simm.s32 $0x1BF5;
	[smem:$0x3FBB] =	sst s0  }
0x18: {  	s0 =	sld [smem:$0x3F9E];
	_ =	swait.ge [sflag:s4], $0x0  }
0x19: {  	s7 =	sld [smem:$0x3F9F]  }
0x1a: {  	s8 =	sadd.s32 $0xFFFFE003, lr  }
0x1b: {  	s9 =	sadd.s32 $0xFFFFFEF7, lr;
	s5 =	simm.s32 $0xFFFFFFFF;
	p2 =	slt.u32 s8, $0xFFFFF086  }
0x1c: {  	p1 =	slt.u32 s9, $0xF7A;
	s5 =	simm.s32 @!p2 $0x0  }
0x1d: {  	s5 =	simm.s32 @p1 $0x1;
	p0 =	seq.s32 s7, s2  }
0x1e: {  	s7 =	smul.u32 @!p0 $0xF7A, s2;
	p2 =	seq.s32 @!p0 s5, $0x0  }
0x1f: {  	s9 =	smul.u32 $0xF7A, s1;
	s8 =	simm.s32 @!p0 $0x1BF5;
	p2 =	por !p2, p0  }
0x20: {  	[sflag:s8] =	ssyncset.s32 @!p0 $0xFFFFF086;
	s6 =	sadd.s32 @!p0 s3, s7;
	s7 =	simm.s32 @!p0 $0x108  }
0x21: {  	s3 =	sadd.s32 s3, s9;
	s6 =	sadd.s32 @!p0 $0x88, s6;
	s7 =	simm.s32 @p2 $0x1082  }
0x22: {  	[simem:s7], [sflag:s8] =	dma.local @!p0 [hbm:s6], $0xF7A  }
0x23: {  	s9 =	sor.u32 $0xD0000000, s2;
	s6 =	simm.s32 $0x108;
	_ =	swait.ge @!p0 [sflag:s8], $0x0  }
0x24: {  	s3 =	sadd.s32 $0x88, s3;
	s6 =	simm.s32 @!p1 $0x1082;
	[sflag:s4] =	ssyncset.s32 $0xFFFFF086  }
0x25: {  	[simem:s6], [sflag:s4] =	dma.local [hbm:s3], $0xF7A  }
0x26: {  	[smem:$0x3F9F] =	sst s1;
	(tag) =	ssettag s2;
	_ =	strace s9  }
0x27: {  	s1 =	sld [smem:$0x3FAF]  }
0x28: {  	s2 =	sld [smem:$0x3FB0]  }
0x29: {  	s4 =	sld [smem:$0x3FB2]  }
0x2a: {  	p0 =	seq.s32 s5, $0x0;
	s5 =	sld [smem:$0x3FB3]  }
0x2b: {  	s6 =	sld [smem:$0x3FB4]  }
0x2c: {  	s7 =	sld [smem:$0x3FB5]  }
0x2d: {  	s3 =	simm.s32 $0x108;
	s8 =	sld [smem:$0x3FB6]  }
0x2e: {  	s3 =	simm.s32 @!p0 $0x1082;
	s9 =	sld [smem:$0x3FB7]  }
0x2f: {  	lr =	sadd.s32 s0, s3;
	s0 =	sld [smem:$0x3FAE]  }
0x30: {  	s3 =	sld [smem:$0x3FB1]  }
0x31: {  	[smem:$0x3FBA] =	sst s10  }
0x32: {  	s10 =	sld [smem:$0x3FB8];
	_ =	sdelay $0x3  }
0x33: {  	p0 =	seq.s32 s10, $0x1;
	s10 =	sld [smem:$0x3FBA];
	_ =	sdelay $0x3  }
0x34: {  	[smem:$0x3FBA] =	sst s10  }
0x35: {  	s10 =	sld [smem:$0x3FB9];
	_ =	sdelay $0x3  }
0x36: {  	p1 =	seq.s32 s10, $0x1;
	s10 =	sld [smem:$0x3FBA];
	_ =	sdelay $0x3  }
0x37: {  	[smem:$0x3FBA] =	sst s10  }
0x38: {  	s10 =	sld [smem:$0x3FBB]  }
0x39: {  	_ = 	snop;
	(pc) =	sbr.ind lr, $3  }
0x3a: {  	_ = 	snop  }
0x3b: {  	_ = 	snop  }
0x3c: {  	p2 =	seq.s32 s10, $0x1;
	s10 =	sld [smem:$0x3FBA]  }
0x3d: {  	_ =	shalt  }
0x3e: {  	_ =	shalt  }
0x3f: {  	_ =	shalt  }
0x40: {  	_ =	shalt  }
0x41: {  	_ =	shalt  }
0x42: {  	_ =	shalt  }
0x43: {  	_ =	shalt  }
0x44: {  	_ =	shalt  }
0x45: {  	_ =	shalt  }
0x46: {  	_ =	shalt  }
0x47: {  	_ =	shalt  }
0x48: {  	_ =	shalt  }
0x49: {  	_ =	shalt  }
0x4a: {  	_ =	shalt  }
0x4b: {  	_ =	shalt  }
0x4c: {  	_ =	shalt  }
0x4d: {  	_ =	shalt  }
0x4e: {  	_ =	shalt  }
0x4f: {  	_ =	shalt  }
0x50: {  	_ =	shalt  }
0x51: {  	_ =	shalt  }
0x52: {  	_ =	shalt  }
0x53: {  	_ =	shalt  }
0x54: {  	_ =	shalt  }
0x55: {  	_ =	shalt  }
0x56: {  	_ =	shalt  }
0x57: {  	_ =	shalt  }
0x58: {  	_ =	shalt  }
0x59: {  	_ =	shalt  }
0x5a: {  	_ =	shalt  }
0x5b: {  	_ =	shalt  }
0x5c: {  	_ =	shalt  }
0x5d: {  	_ =	shalt  }
0x5e: {  	_ =	shalt  }
0x5f: {  	_ =	shalt  }
0x60: {  	_ =	shalt  }
0x61: {  	_ =	shalt  }
0x62: {  	_ =	shalt  }
0x63: {  	_ =	shalt  }
0x64: {  	_ =	shalt  }
0x65: {  	_ =	shalt  }
0x66: {  	_ =	shalt  }
0x67: {  	_ =	shalt  }
0x68: {  	_ =	shalt  }
0x69: {  	_ =	shalt  }
0x6a: {  	_ =	shalt  }
0x6b: {  	_ =	shalt  }
0x6c: {  	_ =	shalt  }
0x6d: {  	_ =	shalt  }
0x6e: {  	_ =	shalt  }
0x6f: {  	_ =	shalt  }
0x70: {  	_ =	shalt  }
0x71: {  	_ =	shalt  }
0x72: {  	_ =	shalt  }
0x73: {  	_ =	shalt  }
0x74: {  	_ =	shalt  }
0x75: {  	_ =	shalt  }
0x76: {  	_ =	shalt  }
0x77: {  	_ =	shalt  }
0x78: {  	_ =	shalt  }
0x79: {  	_ =	shalt  }
0x7a: {  	_ =	shalt  }
0x7b: {  	_ =	shalt  }
0x7c: {  	_ =	shalt  }
0x7d: {  	_ =	shalt  }
0x7e: {  	_ =	shalt  }
0x7f: {  	_ =	shalt  }
0x80: {  	_ =	shalt  }
0x81: {  	_ =	shalt  }
0x82: {  	_ =	shalt  }
0x83: {  	_ =	shalt  }
0x84: {  	_ =	shalt  }
0x85: {  	_ =	shalt  }
0x86: {  	_ =	shalt  }
0x87: {  	_ =	shalt  }
.Lfunc_end0:
.L_simem_size_0:
called_computation_lowered:
.L_overlay_start_0:
0x88: {  	s2 =	sld [smem:$0x3FD9]  }
0x89: {  	s3 =	sld [smem:$0x3FFE];
	_ =	sdelay $0x1  }
0x8a: {  	s1 =	srdreg.scid  }
0x8b: {  	s0 =	sand.u32 $0x1, s1  }
0x8c: {  	s14 =	sshll.u32 s0, $0xA;
	s2 =	sadd.s32 s3, s2  }
0x8d: {  	s2 =	sadd.s32 s2, s14  }
0x8e: {  	[smem:$0x3FC6] =	sst s2  }
0x8f: {  	_ = 	snop  }
0x90: {  	s2 =	sld [smem:$0x3FD0];
	_ =	sdelay $0x2  }
0x91: {  	s15 =	simm.s32 $0xA;
	s4 =	simm.s32 $0x10  }
0x92: {  	[smem:s4], [sflag:s15] =	dma.local [hbm:s2], $0x1  }
0x93: {  	_ =	swait.eq [sflag:s15], $0x1  }
0x94: {  	[sflag:s15] =	ssyncset.done $0x0  }
0x95: {  	[sflag:s15] =	ssyncadd.s32 $0xFFFFFFFF  }
0x96: {  	s16 =	sld [smem:$0x10];
	(tm) =	ssettm $0x1  }
0x97: {  	s17 =	sld [smem:$0x3FFB];
	_ =	sdelay $0x3  }
0x98: {  	_ =	strace s17  }
0x99: {  	s3 =	sld [smem:$0x3FFC];
	_ =	sdelay $0x3  }
0x9a: {  	_ =	strace s3  }
0x9b: {  	s3 =	sld [smem:$0x3FFD];
	_ =	sdelay $0x3  }
0x9c: {  	_ =	strace s3  }
0x9d: {  	_ =	strace $0x8FFFFFFF  }
0x9e: {  	s18 =	sld [smem:$0x3FDB];
	_ =	sdelay $0x1  }
0x9f: {  	s19 =	simm.s32 $_scs_section_size  }
0xa0: {  	s5 =	simm.s32 $_size__tile_overlayer_lowered;
	s6 =	simm.s32 $_tile_overlayer_lowered  }
0xa1: {  	s22 =	simm.s32 $0x1BFF;
	s21 =	sshll.u32 s6, $0x1;
	s3 =	sadd.s32 s19, s18  }
0xa2: {  	s7 =	simm.s32 $0x0;
	s20 =	sshll.u32 s5, $0x1;
	s5 =	sadd.s32 s21, s3  }
0xa3: {  	[timem:s7], [sflag:s22] =	dma.local [hbm:s5], s20  }
0xa4: {  	_ =	swait.ge [sflag:s22], s20  }
0xa5: {  	s4 =	ssub.s32 $0x0, s20;
	[sflag:s22] =	ssyncset.done $0x0  }
0xa6: {  	[sflag:s22] =	ssyncadd.s32 s4;
	_ =	sdelay $0x1  }
0xa7: {  	s23 =	simm.s32 $0x1B8B  }
0xa8: {  	_ =	swait.ge [sflag:s23], $0x1  }
0xa9: {  	[sflag:s23] =	ssyncset.done $0x0  }
0xaa: {  	s25 =	simm.s32 $0x1B8E;
	s24 =	sld [smem:$0x3FFE];
	[sflag:s23] =	ssyncadd.s32 $0xFFFFFFFF  }
0xab: {  	s26 =	simm.s32 $execute0_lowered;
	[smem:$0x3FD2] =	sst s25  }
0xac: {  	s5 =	sshll.u32 s26, $0x1;
	_ =	strace $0x80000046;
	[dreg:$0x1] =	wrdreg $0xFFFFFFFF  }
0xad: {  	s28 =	simm.s32 $_size_execute0_lowered;
	s3 =	sadd.s32 s3, s5;
	[dreg:$0x0] =	wrdreg $0x0  }
0xae: {  	s5 =	sshll.u32 s28, $0x1;
	[dreg:$0x2] =	wrdreg s3  }
0xaf: {  	[dreg:$0x3] =	wrdreg s5  }
0xb0: {  	[dreg:$0x4] =	wrdreg $0xC0  }
0xb1: {  	_ =	task [dreg:s7], $0x5FFFF  }
0xb2: {  	[dreg:$0x1] =	wrdreg $0xFFFFFFFF  }
0xb3: {  	[dreg:$0x0] =	wrdreg $0x60  }
0xb4: {  	[dreg:$0x2] =	wrdreg s16  }
0xb5: {  	[dreg:$0x3] =	wrdreg s24  }
0xb6: {  	[dreg:$0x4] =	wrdreg $0x9  }
0xb7: {  	_ =	task.clear_ibuf [dreg:s7], $0x5FFFF;
	_ =	strace $0x90000046  }
0xb8: {  	s29 =	simm.s32 $0x9;
	_ =	strace $0x80000048  }
0xb9: {  	_ =	swait.ge [sflag:s29], $0x1  }
0xba: {  	[sflag:s29] =	ssyncadd.s32 $0xFFFFFFFF  }
0xbb: {  	_ =	strace $0x90000048  }
0xbc: {  	_ =	sfence  }
0xbd: {  	s30 =	sld [smem:$0x0];
	_ =	sdelay $0x2  }
0xbe: {  	s31 =	sshll.u32 s1, $0xD;
	s1 =	sshrl.u32 s1, $0x2  }
0xbf: {  	s3 =	sand.u32 $0x4000, s31;
	s1 =	sadd.s32 s1, s30  }
0xc0: {  	s0 =	sor.u32 s3, s0;
	s1 =	sshll.u32 s1, $0x11  }
0xc1: {  	s0 =	sor.u32 s1, s0  }
0xc2: {  	s0 =	sadd.s32 $0x8F2B, s0  }
0xc3: {  	[sflag:s0] =	ssyncadd.remote.s32 $0x1  }
0xc4: {  	_ =	sfence.sel $0xFFFF  }
0xc5: {  	[dreg:$0x0] =	wrdreg $0xFFFFFFFF;
	(pc) =	sbr.abs _section_cstart, $3  }
0xc6: {  	[dreg:$0x1] =	wrdreg $0xFFFFFFFF  }
0xc7: {  	_ =	task.clear_ibuf [dreg:s7], $0x2FFFF;
	_ =	strace $0x9FFFFFFF  }
0xc8: {  	(tm) =	ssettm $0x7FFFFFFF  }
0xc9: {  	_ =	shalt  }
tec
execute0_lowered:
.L_overlay_start_1:
0x0: {  	(tag) =	ssettag $0x1  }
0x1: {  	s1 =	srdreg.scid  }
0x2: {  	s2 =	rddreg [dreg:$0x0];
	s0 =	stileid.u32;
	s23 =	sand.u32 $0x1, s1  }
0x3: {  	s14 =	rddreg [dreg:$0x1];
	s4 =	sshll.u32 s0, $0xA;
	s5 =	sshll.u32 s23, $0x9  }
0x4: {  	s3 =	simm.s32 $0x0;
	s1 =	rddreg [dreg:$0x2];
	s15 =	sor.u32 s5, s4  }
0x5: {  	[smem:$0x7FF] =	sst s3;
	s4 =	sshrl.u32 s15, $0x3  }
0x6: {  	_ =	strace $0x80000047;
	s5 =	simm.s32 $0x9;
	s4 =	sadd.s32 s14, s4  }
0x7: {  	[tilespmem:s3], [sflag:$0x9] =	stream.linear.gather [hbm4b:s4+s3], $0x200, $0x38;
	[tilespmem:$0x10200] =	vst v63  }
0x8: {  	_ =	swait.ge [sflag:s5], $0x200  }
0x9: {  	[sflag:s5] =	ssyncset.done $0x0  }
0xa: {  	s6 =	simm.s32 $0x80;
	s7 =	simm.s32 $0x200;
	[sflag:s5] =	ssyncadd.s32 $0xFFFFFE00  }
0xb: {  	[tilespmem:s7], [sflag:$0x1] =	stream.indirect.gather [hbm4b:s2+s6], $0x80, s3, s6, $0xb8;
	[tilespmem:$0x10200] =	vst v63  }
0xc: {  	s8 =	simm.s32 $0x4200  }
0xd: {  	[tilespmem:s8], [sflag:$0x2] =	stream.indirect.gather [hbm4b:s2+s6], $0x80, s6, s6, $0xb8;
	[tilespmem:$0x10200] =	vst v63  }
0xe: {  	s9 =	simm.s32 $0x100;
	s10 =	simm.s32 $0x8200  }
0xf: {  	[tilespmem:s10], [sflag:$0x3] =	stream.indirect.gather [hbm4b:s2+s6], $0x80, s9, s6, $0xb8;
	[tilespmem:$0x10200] =	vst v63  }
0x10: {  	s11 =	simm.s32 $0x180;
	s12 =	simm.s32 $0xC200;
	s13 =	simm.s32 $0x1  }
0x11: {  	[tilespmem:s12], [sflag:$0x4] =	stream.indirect.gather [hbm4b:s2+s6], $0x80, s11, s6, $0xb8;
	[tilespmem:$0x10200] =	vst v63  }
0x12: {  	s15 =	sshll.u32 s15, $0x4;
	_ =	swait.ge [sflag:s13], $0x4000  }
0x13: {  	s20 =	sadd.s32 s15, s14;
	[sflag:s13] =	ssyncset.done $0x0  }
0x14: {  	s15 =	simm.s32 $0x2;
	s14 =	sadd.s32 $0x800, s20;
	[sflag:s13] =	ssyncadd.s32 $0xFFFFC000  }
0x15: {  	[hbm4b:s14+s3] =	stream.linear.scatter [tilespmem:s7], [sflag:$0x5], $0x4000, $0x38;
	[tilespmem:$0x10200] =	vst v63  }
0x16: {  	_ =	swait.ge [sflag:s15], $0x4000  }
0x17: {  	[sflag:s15] =	ssyncset.done $0x0  }
0x18: {  	s17 =	simm.s32 $0x3;
	s16 =	sadd.s32 $0x1000, s20;
	[sflag:s15] =	ssyncadd.s32 $0xFFFFC000  }
0x19: {  	[hbm4b:s16+s3] =	stream.linear.scatter [tilespmem:s8], [sflag:$0x6], $0x4000, $0x38;
	[tilespmem:$0x10200] =	vst v63  }
0x1a: {  	_ =	swait.ge [sflag:s17], $0x4000  }
0x1b: {  	[sflag:s17] =	ssyncset.done $0x0  }
0x1c: {  	s19 =	simm.s32 $0x4;
	s18 =	sadd.s32 $0x1800, s20;
	[sflag:s17] =	ssyncadd.s32 $0xFFFFC000  }
0x1d: {  	[hbm4b:s18+s3] =	stream.linear.scatter [tilespmem:s10], [sflag:$0x7], $0x4000, $0x38;
	[tilespmem:$0x10200] =	vst v63  }
0x1e: {  	_ =	swait.ge [sflag:s19], $0x4000  }
0x1f: {  	[sflag:s19] =	ssyncset.done $0x0  }
0x20: {  	s21 =	simm.s32 $0x5;
	s20 =	sadd.s32 $0x2000, s20;
	[sflag:s19] =	ssyncadd.s32 $0xFFFFC000  }
0x21: {  	[hbm4b:s20+s3] =	stream.linear.scatter [tilespmem:s12], [sflag:$0x8], $0x4000, $0x38;
	[tilespmem:$0x10200] =	vst v63  }
0x22: {  	_ =	swait.ge [sflag:s21], $0x4000  }
0x23: {  	s24 =	ssub.s32 $0x2, s23;
	[sflag:s21] =	ssyncset.done $0x0  }
0x24: {  	s22 =	simm.s32 $0x6;
	s25 =	sshrl.u32 s24, $0x1;
	[sflag:s21] =	ssyncadd.s32 $0xFFFFC000  }
0x25: {  	s24 =	ssub.s32 s24, s25;
	_ =	swait.ge [sflag:s22], $0x4000  }
0x26: {  	s25 =	smax.u32 s24, $0x1;
	[sflag:s22] =	ssyncset.done $0x0  }
0x27: {  	s23 =	simm.s32 $0x7;
	p0 =	sne.s32 s25, $0x1;
	[sflag:s22] =	ssyncadd.s32 $0xFFFFC000  }
.Ltmp0:
0x28: {  	_ =	swait.ge [sflag:s23], $0x4000;
	(pc) =	sbr.rel @!p0 .LBB2_2-.Ltmp0, $4  }
0x29: {  	[sflag:s23] =	ssyncset.done $0x0  }
0x2a: {  	s24 =	simm.s32 $0x8;
	[sflag:s23] =	ssyncadd.s32 $0xFFFFC000  }
0x2b: {  	_ =	swait.ge [sflag:s24], $0x4000  }
0x2c: {  	s25 =	sadd.s32 $0xFFFFFFFF, s25;
	[sflag:s24] =	ssyncset.done $0x0  }
.LBB2_1:
0x2d: {  	p0 =	sne.s32 s25, $0x1;
	s25 =	sadd.s32 $0xFFFFFFFF, s25;
	[sflag:s24] =	ssyncadd.s32 $0xFFFFC000  }
0x2e: {  	[tilespmem:s3], [sflag:$0x9] =	stream.linear.gather [hbm4b:s4+s3], $0x200, $0x38;
	[tilespmem:$0x10200] =	vst v63  }
0x2f: {  	_ =	swait.ge [sflag:s5], $0x200  }
0x30: {  	[sflag:s5] =	ssyncset.done $0x0  }
0x31: {  	[sflag:s5] =	ssyncadd.s32 $0xFFFFFE00  }
0x32: {  	[tilespmem:s7], [sflag:$0x1] =	stream.indirect.gather [hbm4b:s2+s6], $0x80, s3, s6, $0xb8;
	[tilespmem:$0x10200] =	vst v63  }
0x33: {  	_ = 	snop  }
0x34: {  	[tilespmem:s8], [sflag:$0x2] =	stream.indirect.gather [hbm4b:s2+s6], $0x80, s6, s6, $0xb8;
	[tilespmem:$0x10200] =	vst v63  }
0x35: {  	_ = 	snop  }
0x36: {  	[tilespmem:s10], [sflag:$0x3] =	stream.indirect.gather [hbm4b:s2+s6], $0x80, s9, s6, $0xb8;
	[tilespmem:$0x10200] =	vst v63  }
0x37: {  	_ = 	snop  }
0x38: {  	[tilespmem:s12], [sflag:$0x4] =	stream.indirect.gather [hbm4b:s2+s6], $0x80, s11, s6, $0xb8;
	[tilespmem:$0x10200] =	vst v63  }
0x39: {  	_ =	swait.ge [sflag:s13], $0x4000  }
0x3a: {  	[sflag:s13] =	ssyncset.done $0x0  }
0x3b: {  	[sflag:s13] =	ssyncadd.s32 $0xFFFFC000  }
0x3c: {  	[hbm4b:s14+s3] =	stream.linear.scatter [tilespmem:s7], [sflag:$0x5], $0x4000, $0x38;
	[tilespmem:$0x10200] =	vst v63  }
0x3d: {  	_ =	swait.ge [sflag:s15], $0x4000  }
0x3e: {  	[sflag:s15] =	ssyncset.done $0x0  }
0x3f: {  	[sflag:s15] =	ssyncadd.s32 $0xFFFFC000  }
0x40: {  	[hbm4b:s16+s3] =	stream.linear.scatter [tilespmem:s8], [sflag:$0x6], $0x4000, $0x38;
	[tilespmem:$0x10200] =	vst v63  }
0x41: {  	_ =	swait.ge [sflag:s17], $0x4000  }
0x42: {  	[sflag:s17] =	ssyncset.done $0x0  }
0x43: {  	[sflag:s17] =	ssyncadd.s32 $0xFFFFC000  }
0x44: {  	[hbm4b:s18+s3] =	stream.linear.scatter [tilespmem:s10], [sflag:$0x7], $0x4000, $0x38;
	[tilespmem:$0x10200] =	vst v63  }
0x45: {  	_ =	swait.ge [sflag:s19], $0x4000  }
0x46: {  	[sflag:s19] =	ssyncset.done $0x0  }
0x47: {  	[sflag:s19] =	ssyncadd.s32 $0xFFFFC000  }
0x48: {  	[hbm4b:s20+s3] =	stream.linear.scatter [tilespmem:s12], [sflag:$0x8], $0x4000, $0x38;
	[tilespmem:$0x10200] =	vst v63  }
0x49: {  	_ =	swait.ge [sflag:s21], $0x4000  }
0x4a: {  	[sflag:s21] =	ssyncset.done $0x0  }
0x4b: {  	[sflag:s21] =	ssyncadd.s32 $0xFFFFC000  }
0x4c: {  	_ =	swait.ge [sflag:s22], $0x4000  }
0x4d: {  	[sflag:s22] =	ssyncset.done $0x0  }
0x4e: {  	[sflag:s22] =	ssyncadd.s32 $0xFFFFC000  }
.Ltmp1:
0x4f: {  	_ =	swait.ge [sflag:s23], $0x4000;
	(pc) =	sbr.rel @p0 .LBB2_1-.Ltmp1, $4  }
0x50: {  	[sflag:s23] =	ssyncset.done $0x0  }
0x51: {  	[sflag:s23] =	ssyncadd.s32 $0xFFFFC000  }
0x52: {  	_ =	swait.ge [sflag:s24], $0x4000  }
0x53: {  	[sflag:s24] =	ssyncset.done $0x0  }
.LBB2_2:
0x54: {  	[sflag:s24] =	ssyncadd.s32 $0xFFFFC000  }
0x55: {  	_ =	sfence.sel $0x180000  }
0x56: {  	[bflag:$0x0] =	sbarrier.arrive $0xFFFF  }
0x57: {  	p0 =	sne.s32 s0, $0x0;
	_ =	strace $0x90000047  }
0x58: {  	s0 =	sadd.s32 @!p0 $0x100000, s1;
	[bflag:$0x2] =	sbarrier.arrive $0xFFFF  }
0x59: {  	[sflag:s0] =	ssyncadd.tile.s32 @!p0 $0x1;
	_ =	shalt  }
.Lfunc_end2:
_tile_overlayer_lowered:
.L_overlay_start_2:
0x5a: {  	(tag) =	ssettag $0x2  }
0x5b: {  	s0 =	rddreg [dreg:$0x0];
	s2 =	stileid.u32  }
0x5c: {  	s1 =	rddreg [dreg:$0x1];
	p0 =	sne.s32 s2, $0x0  }
0x5d: {  	s3 =	rddreg [dreg:$0x2];
	[bflag:$0x3] =	sbarrier.arrive $0xFFFF;
	s2 =	simm.s32 @!p0 $0x1C09  }
0x5e: {  	[timem:s3], [sflag:s2] =	dma.local @!p0 [hbm:s0], s1  }
0x5f: {  	s0 =	simm.s32 @!p0 $0x9  }
0x60: {  	_ =	swait.ge @!p0 [sflag:s0], s1  }
0x61: {  	s1 =	ssub.s32 @!p0 $0x0, s1;
	[sflag:s0] =	ssyncset.done @!p0 $0x0  }
0x62: {  	[sflag:s0] =	ssyncadd.s32 @!p0 s1  }
0x63: {  	[bflag:$0x3] =	sbarrier.arrive $0xFFFF  }
0x64: {  	_ =	shalt  }

</sc_bundles>
